<compile_context>
chip_gen: v7x
topology: tpu7x:2x2x1
jax: 0.10.2.dev20260603
libtpu: 0.0.44.dev20260713+nightly
codegen_flags: <defaults>
</compile_context>

<pallas_src>
import functools

import jax
import jax.numpy as jnp
import numpy as np
from jax import lax
from jax.experimental import pallas as pl
from jax.experimental.pallas import tpu as pltpu
from jax.experimental.pallas import tpu_sc as plsc

_NC = 2
_NS = 16
_NW = _NC * _NS

_N_ROWS = 8192
_DIM = 128
_ROWS_PER_W = _N_ROWS // _NW
_CHUNK = 128
_N_CHUNK = _ROWS_PER_W // _CHUNK

@functools.cache
def _sc_gather_kernel(n_rows):
    rows_per_w = n_rows // _NW
    n_chunk = rows_per_w // _CHUNK
    mesh = plsc.VectorSubcoreMesh(core_axis_name="c", subcore_axis_name="s")

    @functools.partial(
        pl.kernel,
        out_type=jax.ShapeDtypeStruct((n_rows, _DIM), jnp.float32),
        mesh=mesh,
        scratch_types=[
            pltpu.VMEM((n_chunk, _CHUNK), jnp.int32),
            pltpu.VMEM((rows_per_w, _DIM), jnp.float32),
            pltpu.SemaphoreType.DMA,
        ],
    )
    def _sc_gather(table_hbm, idx_hbm, out_hbm, idx_v, rows_v, sem):
        wid = lax.axis_index("s") * _NC + lax.axis_index("c")
        pltpu.sync_copy(idx_hbm.at[pl.ds(wid * n_chunk, n_chunk)], idx_v)
        cps = [
            pltpu.async_copy(
                table_hbm.at[idx_v.at[j]],
                rows_v.at[pl.ds(j * _CHUNK, _CHUNK)],
                sem,
            )
            for j in range(n_chunk)
        ]
        for cp in cps:
            cp.wait()
        pltpu.sync_copy(rows_v,
                        out_hbm.at[pl.ds(wid * rows_per_w, rows_per_w)])

    return _sc_gather


_BLK = 2048
_SEQ_BLK = _BLK // 4
_SEL_R = 1024
_SEL_C = _SEL_R // 4

def _tc_body(emb_ref, w_ref, pe_ref, b_ref, sc_ref, o_ref, sel_ref, red_ref):
    @pl.when(pl.program_id(0) == 0)
    def _():
        r_io = lax.broadcasted_iota(jnp.int32, (_SEL_R, _SEL_C), 0)
        q_io = lax.broadcasted_iota(jnp.int32, (_SEL_R, _SEL_C), 1)
        sel_ref[...] = (r_io // 4 == q_io).astype(jnp.float32)
        k_io = lax.broadcasted_iota(jnp.int32, (_DIM, _DIM), 0)
        m_io = lax.broadcasted_iota(jnp.int32, (_DIM, _DIM), 1)
        first = k_io == 0
        red_m = jnp.where(m_io == 0, jnp.where(first, 1.0, 0.0), 0.0)
        red_ref[...] = jnp.where(m_io == 1, jnp.where(first, 0.0, 1.0),
                                 red_m)

    x = lax.dot_general(emb_ref[...], w_ref[...], (((1,), (1,)), ((), ())),
                        preferred_element_type=jnp.float32)
    sel = sel_ref[...]
    pe_all = pe_ref[...]
    xpe = jnp.concatenate(
        [jnp.dot(sel, pe_all[h * _SEL_C:(h + 1) * _SEL_C],
                 preferred_element_type=jnp.float32)
         for h in range(_BLK // _SEL_R)],
        axis=0,
    )
    x = x + xpe
    x = x + b_ref[...]
    c_io = lax.broadcasted_iota(jnp.int32, (_BLK, _DIM), 1)
    red = jnp.dot(jnp.where(c_io == 0, x, x * x), red_ref[...],
                  preferred_element_type=jnp.float32)
    x0 = red[:, :1]
    denom = jnp.maximum(red[:, 1:2], 1e-8)
    esc = jnp.exp(sc_ref[0, 0])
    t = esc / (1.0 + jnp.exp(-x0)) + 1.1
    s = (t * t - 1.0) / denom
    o_ref[...] = jnp.where(c_io == 0, t, x * jnp.sqrt(s))


def _tc_compute(emb, w, pe, b2, scl):
    return pl.pallas_call(
        _tc_body,
        grid=(_N_ROWS // _BLK,),
        in_specs=[
            pl.BlockSpec((_BLK, _DIM), lambda i: (i, 0)),
            pl.BlockSpec((_DIM, _DIM), lambda i: (0, 0)),
            pl.BlockSpec((_SEQ_BLK, _DIM), lambda i: (i, 0)),
            pl.BlockSpec((1, _DIM), lambda i: (0, 0)),
            pl.BlockSpec(memory_space=pltpu.SMEM),
        ],
        out_specs=pl.BlockSpec((_BLK, _DIM), lambda i: (i, 0)),
        out_shape=jax.ShapeDtypeStruct((_N_ROWS, _DIM), jnp.float32),
        scratch_shapes=[
            pltpu.VMEM((_SEL_R, _SEL_C), jnp.float32),
            pltpu.VMEM((_DIM, _DIM), jnp.float32),
        ],
    )(emb, w, pe, b2, scl)


def kernel(source, embedding, pe, W, b, scale):
    seq, batch, nfeat = source.shape
    n = seq * batch * nfeat
    idx = source.reshape(n // _CHUNK, _CHUNK).astype(jnp.int32)
    rows = _sc_gather_kernel(n)(embedding, idx)
    out = _tc_compute(rows, W, pe[:seq].reshape(seq, _DIM),
                      b.reshape(1, _DIM), scale.reshape(1, 1))
    return out.reshape(seq, batch, _DIM)

# --- scband reference (transcript-rebuilt; emitter-appended) ---
"""Pipeline reference for scband-lorentz-embeddings-25451976196571 (READ-ONLY COPY).

The authoritative reference and input builder live on the scoring server;
editing this copy changes nothing except your own understanding.
"""

import jax, jax.numpy as jnp
import numpy as np
import math


def setup_inputs(seed: int = 0) -> dict:
    key = jax.random.key(seed)
    ks = jax.random.split(key, 6)
    vocab, dim, max_len = 100000, 128, 5000
    seq_len, batch, nfeat = 2048, 4, 1
    # forward input: (len, batch, nfeat) int indices
    source = jax.random.randint(ks[0], (seq_len, batch, nfeat), 0, vocab, dtype=jnp.int64 if jax.config.jax_enable_x64 else jnp.int32)
    # ManifoldParameter via Lorentz.random_normal: points on the hyperboloid
    # x0 = sqrt(1 + ||x_space||^2) (curvature k = 1)
    space = jax.random.normal(ks[1], (vocab, dim - 1), dtype=jnp.float32)
    time = jnp.sqrt(1.0 + jnp.sum(space * space, axis=-1, keepdims=True))
    embedding = jnp.concatenate([time, space], axis=-1)
    # learnable positional encoding: randn(max_len, 1, dim) * 0.02
    pe = jax.random.normal(ks[2], (max_len, 1, dim), dtype=jnp.float32) * 0.02
    # LorentzLinear(dim, dim): inner nn.Linear weight/bias + learnable scale = log(10)
    W = jax.random.normal(ks[3], (dim, dim), dtype=jnp.float32) * (1.0 / math.sqrt(dim))
    b = jnp.zeros((dim,), dtype=jnp.float32)
    scale = jnp.asarray(math.log(10.0), dtype=jnp.float32)
    return {"source": source, "embedding": embedding, "pe": pe, "W": W, "b": b, "scale": scale}


def reference(source, embedding, pe, W, b, scale):
    # LorentzEmbeddings.forward (eval mode, step=None, dropout = identity)
    lead = source.shape[:-1]
    emb = jnp.take(embedding, source.reshape(-1), axis=0).reshape(lead + (-1,))
    # LorentzPositionEncoding: pe_slice used as bias in LorentzLinear
    pe_slice = pe[: emb.shape[0]]
    # LorentzLinear: x = Wx + b (+ bias pe); then re-project onto hyperboloid
    x = emb @ W.T + b
    x = x + pe_slice
    x_narrow = x[..., 1:]
    t = jax.nn.sigmoid(x[..., :1]) * jnp.exp(scale) + 1.1
    denom = jnp.clip(jnp.sum(x_narrow * x_narrow, axis=-1, keepdims=True), 1e-8, None)
    s = (t * t - 1.0) / denom
    out = jnp.concatenate([t, x_narrow * jnp.sqrt(s)], axis=-1)
    return out

if __name__ == "__main__":
    import jax
    _d = setup_inputs()
    print(jax.jit(kernel)(*tuple(_d.values())))

</pallas_src>

<mosaic_0001>
#map = affine_map<(d0, d1) -> (0, 0)>
module attributes {stable_mosaic.version = 14 : i64} {
  func.func @_sc_gather(%arg0: i32, %arg1: i32, %arg2: memref<100000x128xf32, #tpu.memory_space<hbm>>, %arg3: memref<64x128xi32, #tpu.memory_space<hbm>>, %arg4: memref<8192x128xf32, #tpu.memory_space<hbm>>, %arg5: memref<2x128xi32, #tpu.memory_space<vmem>>, %arg6: memref<256x128xf32, #tpu.memory_space<vmem>>, %arg7: memref<!tpu.dma_semaphore, #tpu.memory_space<semaphore_mem>>) attributes {dimension_semantics = [#tpu.dimension_semantics<core_parallel>, #tpu.dimension_semantics<subcore_parallel>], iteration_bounds = array<i64: 2, 16>, scalar_prefetch = 0 : i64, scratch_operands = 3 : i64, tpu.core_type = #tpu.core_type<sc_vector_subcore>, window_params = [{transform_indices = #map}, {transform_indices = #map}, {transform_indices = #map}]} {
    %mul3A = arith.constant 2 : i32
    %mul3A_0 = arith.muli %arg1, %mul3A : i32
    %add3A = arith.addi %mul3A_0, %arg0 : i32
    %mul3A_1 = arith.constant 2 : i32
    %mul3A_2 = arith.muli %add3A, %mul3A_1 : i32
    "tpu.region"() ({
      %run_scoped3A = tpu.sem_alloc : memref<!tpu.dma_semaphore, #tpu.memory_space<semaphore_mem>>
      %dma_start3A_43 = arith.constant 0 : i32
      %dma_start3A_44 = tpu.memref_slice %arg3[%mul3A_2, %dma_start3A_43] : memref<64x128xi32, #tpu.memory_space<hbm>> -> memref<2x128xi32, #tpu.memory_space<hbm>>
      %dma_start3A_45 = arith.constant 0 : i32
      %dma_start3A_46 = tpu.memref_slice %arg3[%mul3A_2, %dma_start3A_45] : memref<64x128xi32, #tpu.memory_space<hbm>> -> memref<2x128xi32, #tpu.memory_space<hbm>>
      tpu.enqueue_dma source(%dma_start3A_46 : memref<2x128xi32, #tpu.memory_space<hbm>>) target(%arg5 : memref<2x128xi32, #tpu.memory_space<vmem>>) target_semaphore(%run_scoped3A : memref<!tpu.dma_semaphore, #tpu.memory_space<semaphore_mem>>)
      %dma_wait3A_47 = arith.constant 0 : i32
      %dma_wait3A_48 = tpu.memref_slice %arg3[%mul3A_2, %dma_wait3A_47] : memref<64x128xi32, #tpu.memory_space<hbm>> -> memref<2x128xi32, #tpu.memory_space<hbm>>
      %dma_wait3A_49 = arith.constant 0 : i32
      %dma_wait3A_50 = tpu.memref_slice %arg3[%mul3A_2, %dma_wait3A_49] : memref<64x128xi32, #tpu.memory_space<hbm>> -> memref<2x128xi32, #tpu.memory_space<hbm>>
      tpu.wait_dma2 semaphore(%run_scoped3A : memref<!tpu.dma_semaphore, #tpu.memory_space<semaphore_mem>>) src(%dma_wait3A_50 : memref<2x128xi32, #tpu.memory_space<hbm>>) dst(%arg5 : memref<2x128xi32, #tpu.memory_space<vmem>>)
      tpu.yield
    }) : () -> ()
    %dma_start3A = arith.constant 0 : i32
    %dma_start3A_3 = arith.constant 0 : i32
    %dma_start3A_4 = arith.constant 0 : i32
    %dma_start3A_5 = tpu.memref_slice %arg6[%dma_start3A_3, %dma_start3A_4] : memref<256x128xf32, #tpu.memory_space<vmem>> -> memref<128x128xf32, #tpu.memory_space<vmem>>
    %dma_start3A_6 = arith.constant 0 : i32
    %dma_start3A_7 = tpu.memref_slice %arg5[%dma_start3A, %dma_start3A_6] : memref<2x128xi32, #tpu.memory_space<vmem>> -> memref<1x128xi32, #tpu.memory_space<vmem>>
    %dma_start3A_8 = tpu.memref_squeeze %dma_start3A_7 : memref<1x128xi32, #tpu.memory_space<vmem>> -> memref<128xi32, #tpu.memory_space<vmem>>
    %dma_start3A_9 = arith.constant 0 : i32
    %dma_start3A_10 = arith.constant 0 : i32
    %dma_start3A_11 = tpu.memref_slice %arg2[%dma_start3A_9, %dma_start3A_10] : memref<100000x128xf32, #tpu.memory_space<hbm>> -> memref<100000x128xf32, #tpu.memory_space<hbm>>
    tpu.enqueue_indirect_dma source(%dma_start3A_11 : memref<100000x128xf32, #tpu.memory_space<hbm>>) target(%dma_start3A_5 : memref<128x128xf32, #tpu.memory_space<vmem>>) offsets(%dma_start3A_8 : memref<128xi32, #tpu.memory_space<vmem>>) semaphore(%arg7 : memref<!tpu.dma_semaphore, #tpu.memory_space<semaphore_mem>>)
    %dma_start3A_12 = arith.constant 1 : i32
    %dma_start3A_13 = arith.constant 128 : i32
    %dma_start3A_14 = arith.constant 0 : i32
    %dma_start3A_15 = tpu.memref_slice %arg6[%dma_start3A_13, %dma_start3A_14] : memref<256x128xf32, #tpu.memory_space<vmem>> -> memref<128x128xf32, #tpu.memory_space<vmem>>
    %dma_start3A_16 = arith.constant 0 : i32
    %dma_start3A_17 = tpu.memref_slice %arg5[%dma_start3A_12, %dma_start3A_16] : memref<2x128xi32, #tpu.memory_space<vmem>> -> memref<1x128xi32, #tpu.memory_space<vmem>>
    %dma_start3A_18 = tpu.memref_squeeze %dma_start3A_17 : memref<1x128xi32, #tpu.memory_space<vmem>> -> memref<128xi32, #tpu.memory_space<vmem>>
    %dma_start3A_19 = arith.constant 0 : i32
    %dma_start3A_20 = arith.constant 0 : i32
    %dma_start3A_21 = tpu.memref_slice %arg2[%dma_start3A_19, %dma_start3A_20] : memref<100000x128xf32, #tpu.memory_space<hbm>> -> memref<100000x128xf32, #tpu.memory_space<hbm>>
    tpu.enqueue_indirect_dma source(%dma_start3A_21 : memref<100000x128xf32, #tpu.memory_space<hbm>>) target(%dma_start3A_15 : memref<128x128xf32, #tpu.memory_space<vmem>>) offsets(%dma_start3A_18 : memref<128xi32, #tpu.memory_space<vmem>>) semaphore(%arg7 : memref<!tpu.dma_semaphore, #tpu.memory_space<semaphore_mem>>)
    %dma_wait3A = arith.constant 0 : i32
    %dma_wait3A_22 = arith.constant 0 : i32
    %dma_wait3A_23 = arith.constant 0 : i32
    %dma_wait3A_24 = tpu.memref_slice %arg6[%dma_wait3A_22, %dma_wait3A_23] : memref<256x128xf32, #tpu.memory_space<vmem>> -> memref<128x128xf32, #tpu.memory_space<vmem>>
    %dma_wait3A_25 = arith.constant 0 : i32
    %dma_wait3A_26 = tpu.memref_slice %arg5[%dma_wait3A, %dma_wait3A_25] : memref<2x128xi32, #tpu.memory_space<vmem>> -> memref<1x128xi32, #tpu.memory_space<vmem>>
    %dma_wait3A_27 = tpu.memref_squeeze %dma_wait3A_26 : memref<1x128xi32, #tpu.memory_space<vmem>> -> memref<128xi32, #tpu.memory_space<vmem>>
    %dma_wait3A_28 = arith.constant 0 : i32
    %dma_wait3A_29 = arith.constant 0 : i32
    %dma_wait3A_30 = tpu.memref_slice %arg2[%dma_wait3A_28, %dma_wait3A_29] : memref<100000x128xf32, #tpu.memory_space<hbm>> -> memref<100000x128xf32, #tpu.memory_space<hbm>>
    tpu.wait_indirect_dma semaphore(%arg7 : memref<!tpu.dma_semaphore, #tpu.memory_space<semaphore_mem>>) src(%dma_wait3A_30 : memref<100000x128xf32, #tpu.memory_space<hbm>>) dst(%dma_wait3A_24 : memref<128x128xf32, #tpu.memory_space<vmem>>)
    %dma_wait3A_31 = arith.constant 1 : i32
    %dma_wait3A_32 = arith.constant 128 : i32
    %dma_wait3A_33 = arith.constant 0 : i32
    %dma_wait3A_34 = tpu.memref_slice %arg6[%dma_wait3A_32, %dma_wait3A_33] : memref<256x128xf32, #tpu.memory_space<vmem>> -> memref<128x128xf32, #tpu.memory_space<vmem>>
    %dma_wait3A_35 = arith.constant 0 : i32
    %dma_wait3A_36 = tpu.memref_slice %arg5[%dma_wait3A_31, %dma_wait3A_35] : memref<2x128xi32, #tpu.memory_space<vmem>> -> memref<1x128xi32, #tpu.memory_space<vmem>>
    %dma_wait3A_37 = tpu.memref_squeeze %dma_wait3A_36 : memref<1x128xi32, #tpu.memory_space<vmem>> -> memref<128xi32, #tpu.memory_space<vmem>>
    %dma_wait3A_38 = arith.constant 0 : i32
    %dma_wait3A_39 = arith.constant 0 : i32
    %dma_wait3A_40 = tpu.memref_slice %arg2[%dma_wait3A_38, %dma_wait3A_39] : memref<100000x128xf32, #tpu.memory_space<hbm>> -> memref<100000x128xf32, #tpu.memory_space<hbm>>
    tpu.wait_indirect_dma semaphore(%arg7 : memref<!tpu.dma_semaphore, #tpu.memory_space<semaphore_mem>>) src(%dma_wait3A_40 : memref<100000x128xf32, #tpu.memory_space<hbm>>) dst(%dma_wait3A_34 : memref<128x128xf32, #tpu.memory_space<vmem>>)
    %mul3A_41 = arith.constant 256 : i32
    %mul3A_42 = arith.muli %add3A, %mul3A_41 : i32
    "tpu.region"() ({
      %run_scoped3A = tpu.sem_alloc : memref<!tpu.dma_semaphore, #tpu.memory_space<semaphore_mem>>
      %dma_start3A_43 = arith.constant 0 : i32
      %dma_start3A_44 = tpu.memref_slice %arg4[%mul3A_42, %dma_start3A_43] : memref<8192x128xf32, #tpu.memory_space<hbm>> -> memref<256x128xf32, #tpu.memory_space<hbm>>
      %dma_start3A_45 = arith.constant 0 : i32
      %dma_start3A_46 = tpu.memref_slice %arg4[%mul3A_42, %dma_start3A_45] : memref<8192x128xf32, #tpu.memory_space<hbm>> -> memref<256x128xf32, #tpu.memory_space<hbm>>
      tpu.enqueue_dma source(%arg6 : memref<256x128xf32, #tpu.memory_space<vmem>>) target(%dma_start3A_46 : memref<256x128xf32, #tpu.memory_space<hbm>>) target_semaphore(%run_scoped3A : memref<!tpu.dma_semaphore, #tpu.memory_space<semaphore_mem>>)
      %dma_wait3A_47 = arith.constant 0 : i32
      %dma_wait3A_48 = tpu.memref_slice %arg4[%mul3A_42, %dma_wait3A_47] : memref<8192x128xf32, #tpu.memory_space<hbm>> -> memref<256x128xf32, #tpu.memory_space<hbm>>
      %dma_wait3A_49 = arith.constant 0 : i32
      %dma_wait3A_50 = tpu.memref_slice %arg4[%mul3A_42, %dma_wait3A_49] : memref<8192x128xf32, #tpu.memory_space<hbm>> -> memref<256x128xf32, #tpu.memory_space<hbm>>
      tpu.wait_dma2 semaphore(%run_scoped3A : memref<!tpu.dma_semaphore, #tpu.memory_space<semaphore_mem>>) src(%arg6 : memref<256x128xf32, #tpu.memory_space<vmem>>) dst(%dma_wait3A_50 : memref<256x128xf32, #tpu.memory_space<hbm>>)
      tpu.yield
    }) : () -> ()
    return
  }
}

module attributes {stable_mosaic.version = 14 : i64} {
  func.func @_tc_body(%arg0: i32, %arg1: memref<2048x128xf32, #tpu.memory_space<vmem>>, %arg2: memref<128x128xf32, #tpu.memory_space<vmem>>, %arg3: memref<512x128xf32, #tpu.memory_space<vmem>>, %arg4: memref<1x128xf32, #tpu.memory_space<vmem>>, %arg5: memref<1x1xf32, #tpu.memory_space<smem>>, %arg6: memref<2048x128xf32, #tpu.memory_space<vmem>>, %arg7: memref<1024x256xf32, #tpu.memory_space<vmem>>, %arg8: memref<128x128xf32, #tpu.memory_space<vmem>>) attributes {dimension_semantics = [#tpu.dimension_semantics<arbitrary>], iteration_bounds = array<i64: 4>, scalar_prefetch = 0 : i64, scratch_operands = 2 : i64, tpu.core_type = #tpu.core_type<tc>, window_params = [{transform_indices = @transform_0, window_bounds = array<i64: 2048, 128>}, {pipeline_mode = #tpu.pipeline_mode<synchronous>, transform_indices = @transform_1, window_bounds = array<i64: 128, 128>}, {transform_indices = @transform_2, window_bounds = array<i64: 512, 128>}, {pipeline_mode = #tpu.pipeline_mode<synchronous>, transform_indices = @transform_3, window_bounds = array<i64: 1, 128>}, {transform_indices = @transform_4, window_bounds = array<i64: 1, 1>}, {transform_indices = @transform_5, window_bounds = array<i64: 2048, 128>}]} {
    %eq3A = arith.constant 0 : i32
    %eq3A_0 = arith.cmpi eq, %arg0, %eq3A : i32
    %convert_element_type3A = arith.extui %eq3A_0 : i1 to i32
    %cond3A = arith.constant 0 : i32
    %cond3A_1 = arith.cmpi ne, %convert_element_type3A, %cond3A : i32
    scf.if %cond3A_1 {
      %iota3A_62 = tpu.iota {dimensions = array<i32: 0>} : vector<1024x256xi32>
      %iota3A_63 = tpu.iota {dimensions = array<i32: 1>} : vector<1024x256xi32>
      %jit3A = arith.constant 4 : i32
      %div3A_64 = vector.broadcast %jit3A : i32 to vector<1024x256xi32>
      %div3A_65 = arith.divsi %iota3A_62, %div3A_64 : vector<1024x256xi32>
      %sign3A = arith.constant 0 : i32
      %sign3A_66 = vector.broadcast %sign3A : i32 to vector<1024x256xi32>
      %sign3A_67 = arith.cmpi sgt, %iota3A_62, %sign3A_66 : vector<1024x256xi32>
      %sign3A_68 = arith.extui %sign3A_67 : vector<1024x256xi1> to vector<1024x256xi32>
      %sign3A_69 = arith.constant 0 : i32
      %sign3A_70 = vector.broadcast %sign3A_69 : i32 to vector<1024x256xi32>
      %sign3A_71 = arith.cmpi slt, %iota3A_62, %sign3A_70 : vector<1024x256xi32>
      %sign3A_72 = arith.extui %sign3A_71 : vector<1024x256xi1> to vector<1024x256xi32>
      %sign3A_73 = arith.subi %sign3A_68, %sign3A_72 : vector<1024x256xi32>
      %sign3A_74 = arith.constant 0 : i32
      %sign3A_75 = arith.cmpi sgt, %jit3A, %sign3A_74 : i32
      %sign3A_76 = arith.extui %sign3A_75 : i1 to i32
      %sign3A_77 = arith.constant 0 : i32
      %sign3A_78 = arith.cmpi slt, %jit3A, %sign3A_77 : i32
      %sign3A_79 = arith.extui %sign3A_78 : i1 to i32
      %sign3A_80 = arith.subi %sign3A_76, %sign3A_79 : i32
      %ne3A = vector.broadcast %sign3A_80 : i32 to vector<1024x256xi32>
      %ne3A_81 = arith.cmpi ne, %sign3A_73, %ne3A : vector<1024x256xi32>
      %rem3A = vector.broadcast %jit3A : i32 to vector<1024x256xi32>
      %rem3A_82 = arith.remsi %iota3A_62, %rem3A : vector<1024x256xi32>
      %ne3A_83 = arith.constant 0 : i32
      %ne3A_84 = vector.broadcast %ne3A_83 : i32 to vector<1024x256xi32>
      %ne3A_85 = arith.cmpi ne, %rem3A_82, %ne3A_84 : vector<1024x256xi32>
      %and3A = arith.andi %ne3A_81, %ne3A_85 : vector<1024x256xi1>
      %sub3A_86 = arith.constant 1 : i32
      %sub3A_87 = vector.broadcast %sub3A_86 : i32 to vector<1024x256xi32>
      %sub3A_88 = arith.subi %div3A_65, %sub3A_87 : vector<1024x256xi32>
      %select_n3A_89 = arith.select %and3A, %sub3A_88, %div3A_65 : vector<1024x256xi1>, vector<1024x256xi32>
      %eq3A_90 = arith.cmpi eq, %select_n3A_89, %iota3A_63 : vector<1024x256xi32>
      %convert_element_type3A_91 = arith.extui %eq3A_90 : vector<1024x256xi1> to vector<1024x256xi32>
      %convert_element_type3A_92 = arith.sitofp %convert_element_type3A_91 : vector<1024x256xi32> to vector<1024x256xf32>
      %swap3A_93 = arith.constant 0 : index
      %swap3A_94 = arith.constant 0 : index
      %swap3A_95 = vector.load %arg7[%swap3A_93, %swap3A_94] : memref<1024x256xf32, #tpu.memory_space<vmem>>, vector<1024x256xf32>
      tpu.vector_store %arg7[%swap3A_93, %swap3A_94], %convert_element_type3A_92 {strides = array<i32>} : memref<1024x256xf32, #tpu.memory_space<vmem>>, vector<1024x256xf32>,
      %iota3A_96 = tpu.iota {dimensions = array<i32: 0>} : vector<128x128xi32>
      %iota3A_97 = tpu.iota {dimensions = array<i32: 1>} : vector<128x128xi32>
      %eq3A_98 = arith.constant 0 : i32
      %eq3A_99 = vector.broadcast %eq3A_98 : i32 to vector<128x128xi32>
      %eq3A_100 = arith.cmpi eq, %iota3A_96, %eq3A_99 : vector<128x128xi32>
      %eq3A_101 = arith.constant 0 : i32
      %eq3A_102 = vector.broadcast %eq3A_101 : i32 to vector<128x128xi32>
      %eq3A_103 = arith.cmpi eq, %iota3A_97, %eq3A_102 : vector<128x128xi32>
      %jit3A_104 = arith.constant 1.000000e+00 : f32
      %jit3A_105 = arith.constant 0.000000e+00 : f32
      %broadcast_in_dim3A_106 = vector.broadcast %jit3A_104 : f32 to vector<128x128xf32>
      %broadcast_in_dim3A_107 = vector.broadcast %jit3A_105 : f32 to vector<128x128xf32>
      %select_n3A_108 = arith.select %eq3A_100, %broadcast_in_dim3A_106, %broadcast_in_dim3A_107 : vector<128x128xi1>, vector<128x128xf32>
      %jit3A_109 = arith.constant 0.000000e+00 : f32
      %broadcast_in_dim3A_110 = vector.broadcast %jit3A_109 : f32 to vector<128x128xf32>
      %select_n3A_111 = arith.select %eq3A_103, %select_n3A_108, %broadcast_in_dim3A_110 : vector<128x128xi1>, vector<128x128xf32>
      %eq3A_112 = arith.constant 1 : i32
      %eq3A_113 = vector.broadcast %eq3A_112 : i32 to vector<128x128xi32>
      %eq3A_114 = arith.cmpi eq, %iota3A_97, %eq3A_113 : vector<128x128xi32>
      %jit3A_115 = arith.constant 0.000000e+00 : f32
      %jit3A_116 = arith.constant 1.000000e+00 : f32
      %broadcast_in_dim3A_117 = vector.broadcast %jit3A_115 : f32 to vector<128x128xf32>
      %broadcast_in_dim3A_118 = vector.broadcast %jit3A_116 : f32 to vector<128x128xf32>
      %select_n3A_119 = arith.select %eq3A_100, %broadcast_in_dim3A_117, %broadcast_in_dim3A_118 : vector<128x128xi1>, vector<128x128xf32>
      %select_n3A_120 = arith.select %eq3A_114, %select_n3A_119, %select_n3A_111 : vector<128x128xi1>, vector<128x128xf32>
      %swap3A_121 = arith.constant 0 : index
      %swap3A_122 = arith.constant 0 : index
      %swap3A_123 = vector.load %arg8[%swap3A_121, %swap3A_122] : memref<128x128xf32, #tpu.memory_space<vmem>>, vector<128x128xf32>
      tpu.vector_store %arg8[%swap3A_121, %swap3A_122], %select_n3A_120 {strides = array<i32>} : memref<128x128xf32, #tpu.memory_space<vmem>>, vector<128x128xf32>,
    } else {
    }
    %get3A = arith.constant 0 : index
    %get3A_2 = arith.constant 0 : index
    %get3A_3 = vector.load %arg1[%get3A, %get3A_2] : memref<2048x128xf32, #tpu.memory_space<vmem>>, vector<2048x128xf32>
    %get3A_4 = arith.constant 0 : index
    %get3A_5 = arith.constant 0 : index
    %get3A_6 = vector.load %arg2[%get3A_4, %get3A_5] : memref<128x128xf32, #tpu.memory_space<vmem>>, vector<128x128xf32>
    %dot_general3A = arith.constant dense<0.000000e+00> : vector<2048x128xf32>
    %dot_general3A_7 = tpu.matmul %get3A_3, %get3A_6, %dot_general3A {dimension_numbers = #tpu.dot_dimension_numbers<[1], [1], [0], [0], [0, 0, 1, 0], [], []>, transpose_lhs_hint = false} : vector<2048x128xf32>, vector<128x128xf32>, vector<2048x128xf32> -> vector<2048x128xf32>
    %get3A_8 = arith.constant 0 : index
    %get3A_9 = arith.constant 0 : index
    %get3A_10 = vector.load %arg7[%get3A_8, %get3A_9] : memref<1024x256xf32, #tpu.memory_space<vmem>>, vector<1024x256xf32>
    %get3A_11 = arith.constant 0 : index
    %get3A_12 = arith.constant 0 : index
    %get3A_13 = vector.load %arg3[%get3A_11, %get3A_12] : memref<512x128xf32, #tpu.memory_space<vmem>>, vector<512x128xf32>
    %slice3A = vector.extract_strided_slice %get3A_13 {offsets = [0, 0], sizes = [256, 128], strides = [1, 1]} : vector<512x128xf32> to vector<256x128xf32>
    %dot_general3A_14 = arith.constant dense<0.000000e+00> : vector<1024x128xf32>
    %dot_general3A_15 = tpu.matmul %get3A_10, %slice3A, %dot_general3A_14 {dimension_numbers = #tpu.dot_dimension_numbers<[1], [0], [0], [1], [0, 0, 1, 1], [], []>, transpose_lhs_hint = false} : vector<1024x256xf32>, vector<256x128xf32>, vector<1024x128xf32> -> vector<1024x128xf32>
    %slice3A_16 = vector.extract_strided_slice %get3A_13 {offsets = [256, 0], sizes = [256, 128], strides = [1, 1]} : vector<512x128xf32> to vector<256x128xf32>
    %dot_general3A_17 = arith.constant dense<0.000000e+00> : vector<1024x128xf32>
    %dot_general3A_18 = tpu.matmul %get3A_10, %slice3A_16, %dot_general3A_17 {dimension_numbers = #tpu.dot_dimension_numbers<[1], [0], [0], [1], [0, 0, 1, 1], [], []>, transpose_lhs_hint = false} : vector<1024x256xf32>, vector<256x128xf32>, vector<1024x128xf32> -> vector<1024x128xf32>
    %concatenate3A = tpu.concatenate %dot_general3A_15, %dot_general3A_18 in 0 : vector<1024x128xf32>, vector<1024x128xf32> -> vector<2048x128xf32>
    %add3A = arith.addf %dot_general3A_7, %concatenate3A : vector<2048x128xf32>
    %get3A_19 = arith.constant 0 : index
    %get3A_20 = arith.constant 0 : index
    %get3A_21 = vector.load %arg4[%get3A_19, %get3A_20] : memref<1x128xf32, #tpu.memory_space<vmem>>, vector<1x128xf32>
    %add3A_22 = vector.broadcast %get3A_21 : vector<1x128xf32> to vector<2048x128xf32>
    %add3A_23 = arith.addf %add3A, %add3A_22 : vector<2048x128xf32>
    %iota3A = tpu.iota {dimensions = array<i32: 1>} : vector<2048x128xi32>
    %eq3A_24 = arith.constant 0 : i32
    %eq3A_25 = vector.broadcast %eq3A_24 : i32 to vector<2048x128xi32>
    %eq3A_26 = arith.cmpi eq, %iota3A, %eq3A_25 : vector<2048x128xi32>
    %mul3A = arith.mulf %add3A_23, %add3A_23 : vector<2048x128xf32>
    %select_n3A = arith.select %eq3A_26, %add3A_23, %mul3A : vector<2048x128xi1>, vector<2048x128xf32>
    %get3A_27 = arith.constant 0 : index
    %get3A_28 = arith.constant 0 : index
    %get3A_29 = vector.load %arg8[%get3A_27, %get3A_28] : memref<128x128xf32, #tpu.memory_space<vmem>>, vector<128x128xf32>
    %dot_general3A_30 = arith.constant dense<0.000000e+00> : vector<2048x128xf32>
    %dot_general3A_31 = tpu.matmul %select_n3A, %get3A_29, %dot_general3A_30 {dimension_numbers = #tpu.dot_dimension_numbers<[1], [0], [0], [1], [0, 0, 1, 1], [], []>, transpose_lhs_hint = false} : vector<2048x128xf32>, vector<128x128xf32>, vector<2048x128xf32> -> vector<2048x128xf32>
    %slice3A_32 = vector.extract_strided_slice %dot_general3A_31 {offsets = [0, 0], sizes = [2048, 1], strides = [1, 1]} : vector<2048x128xf32> to vector<2048x1xf32>
    %slice3A_33 = vector.extract_strided_slice %dot_general3A_31 {offsets = [0, 1], sizes = [2048, 1], strides = [1, 1]} : vector<2048x128xf32> to vector<2048x1xf32>
    %max3A = arith.constant 9.99999993E-9 : f32
    %max3A_34 = vector.broadcast %max3A : f32 to vector<2048x1xf32>
    %max3A_35 = arith.maximumf %slice3A_33, %max3A_34 : vector<2048x1xf32>
    %get3A_36 = arith.constant 0 : index
    %get3A_37 = arith.constant 0 : index
    %get3A_38 = memref.load %arg5[%get3A_36, %get3A_37] : memref<1x1xf32, #tpu.memory_space<smem>>
    %exp3A = math.exp %get3A_38 : f32
    %neg3A = arith.constant 0.000000e+00 : f32
    %neg3A_39 = vector.broadcast %neg3A : f32 to vector<2048x1xf32>
    %neg3A_40 = arith.subf %neg3A_39, %slice3A_32 : vector<2048x1xf32>
    %exp3A_41 = math.exp %neg3A_40 : vector<2048x1xf32>
    %add3A_42 = arith.constant 1.000000e+00 : f32
    %add3A_43 = vector.broadcast %add3A_42 : f32 to vector<2048x1xf32>
    %add3A_44 = arith.addf %add3A_43, %exp3A_41 : vector<2048x1xf32>
    %div3A = vector.broadcast %exp3A : f32 to vector<2048x1xf32>
    %div3A_45 = arith.divf %div3A, %add3A_44 : vector<2048x1xf32>
    %add3A_46 = arith.constant 1.100000e+00 : f32
    %add3A_47 = vector.broadcast %add3A_46 : f32 to vector<2048x1xf32>
    %add3A_48 = arith.addf %div3A_45, %add3A_47 : vector<2048x1xf32>
    %mul3A_49 = arith.mulf %add3A_48, %add3A_48 : vector<2048x1xf32>
    %sub3A = arith.constant 1.000000e+00 : f32
    %sub3A_50 = vector.broadcast %sub3A : f32 to vector<2048x1xf32>
    %sub3A_51 = arith.subf %mul3A_49, %sub3A_50 : vector<2048x1xf32>
    %div3A_52 = arith.divf %sub3A_51, %max3A_35 : vector<2048x1xf32>
    %eq3A_53 = arith.constant 0 : i32
    %eq3A_54 = vector.broadcast %eq3A_53 : i32 to vector<2048x128xi32>
    %eq3A_55 = arith.cmpi eq, %iota3A, %eq3A_54 : vector<2048x128xi32>
    %sqrt3A = math.sqrt %div3A_52 : vector<2048x1xf32>
    %mul3A_56 = vector.broadcast %sqrt3A : vector<2048x1xf32> to vector<2048x128xf32>
    %mul3A_57 = arith.mulf %add3A_23, %mul3A_56 : vector<2048x128xf32>
    %broadcast_in_dim3A = vector.shape_cast %add3A_48 : vector<2048x1xf32> to vector<2048x1xf32>
    %broadcast_in_dim3A_58 = vector.broadcast %broadcast_in_dim3A : vector<2048x1xf32> to vector<2048x128xf32>
    %select_n3A_59 = arith.select %eq3A_55, %broadcast_in_dim3A_58, %mul3A_57 : vector<2048x128xi1>, vector<2048x128xf32>
    %swap3A = arith.constant 0 : index
    %swap3A_60 = arith.constant 0 : index
    %swap3A_61 = vector.load %arg6[%swap3A, %swap3A_60] : memref<2048x128xf32, #tpu.memory_space<vmem>>, vector<2048x128xf32>
    tpu.vector_store %arg6[%swap3A, %swap3A_60], %select_n3A_59 {strides = array<i32>} : memref<2048x128xf32, #tpu.memory_space<vmem>>, vector<2048x128xf32>,
    return
  }
  func.func @transform_0(%arg0: i32) -> (i32, i32) {
    %c0_i32 = arith.constant 0 : i32
    %c0_i32_0 = arith.constant 0 : i32
    return %arg0, %c0_i32 : i32, i32
  }
  func.func @transform_1(%arg0: i32) -> (i32, i32) {
    %c0_i32 = arith.constant 0 : i32
    %c0_i32_0 = arith.constant 0 : i32
    %c0_i32_1 = arith.constant 0 : i32
    return %c0_i32, %c0_i32_0 : i32, i32
  }
  func.func @transform_2(%arg0: i32) -> (i32, i32) {
    %c0_i32 = arith.constant 0 : i32
    %c0_i32_0 = arith.constant 0 : i32
    return %arg0, %c0_i32 : i32, i32
  }
  func.func @transform_3(%arg0: i32) -> (i32, i32) {
    %c0_i32 = arith.constant 0 : i32
    %c0_i32_0 = arith.constant 0 : i32
    %c0_i32_1 = arith.constant 0 : i32
    return %c0_i32, %c0_i32_0 : i32, i32
  }
  func.func @transform_4(%arg0: i32) -> (i32, i32) {
    %c0_i32 = arith.constant 0 : i32
    %c0_i32_0 = arith.constant 0 : i32
    %c0_i32_1 = arith.constant 0 : i32
    return %c0_i32, %c0_i32_0 : i32, i32
  }
  func.func @transform_5(%arg0: i32) -> (i32, i32) {
    %c0_i32 = arith.constant 0 : i32
    %c0_i32_0 = arith.constant 0 : i32
    return %arg0, %c0_i32 : i32, i32
  }
}

</mosaic_0001>

<sc_bundles>
// kernel: kernel.4.cloned.1.call-start
scs
__scs_entry_jumppad:
0x0: {  	(pc) =	sbr.rel $0x88, $3  }
0x1: {  	(tag) =	ssettag $0x0;
	lr =	simm.s32 $0x1  }
0x2: {  	[smem:$0x3F9B] =	sst lr;
	_ =	strace $0xD0000000  }
0x3: {  	_ = 	snop  }
0x4: {  	_ = 	snop  }
0x5: {  	_ = 	snop  }
0x6: {  	_ = 	snop  }
0x7: {  	_ = 	snop  }
__scs_overlays_trampoline_lowered:
0x8: {  	[smem:$0x3FAA] =	sst s0  }
0x9: {  	[smem:$0x3FAB] =	sst s1  }
0xa: {  	[smem:$0x3FAC] =	sst s2  }
0xb: {  	[smem:$0x3FAD] =	sst s3  }
0xc: {  	[smem:$0x3FAE] =	sst s4  }
0xd: {  	[smem:$0x3FAF] =	sst s5  }
0xe: {  	[smem:$0x3FB0] =	sst s6  }
0xf: {  	[smem:$0x3FB1] =	sst s7  }
0x10: {  	[smem:$0x3FB2] =	sst s8  }
0x11: {  	[smem:$0x3FB3] =	sst s9;
	s0 =	simm.s32 @!p0 $0x0  }
0x12: {  	s1 =	sld [smem:$0x3F99];
	s0 =	simm.s32 @p0 $0x1  }
0x13: {  	[smem:$0x3FB4] =	sst s0;
	s0 =	simm.s32 @!p1 $0x0  }
0x14: {  	s2 =	sld [smem:$0x3F98];
	s0 =	simm.s32 @p1 $0x1  }
0x15: {  	[smem:$0x3FB5] =	sst s0;
	s0 =	simm.s32 @!p2 $0x0  }
0x16: {  	s3 =	sld [smem:$0x3FDB];
	s0 =	simm.s32 @p2 $0x1  }
0x17: {  	s4 =	simm.s32 $0x1BF5;
	[smem:$0x3FB7] =	sst s0  }
0x18: {  	s0 =	sld [smem:$0x3F9A];
	_ =	swait.ge [sflag:s4], $0x0  }
0x19: {  	s7 =	sld [smem:$0x3F9B]  }
0x1a: {  	s8 =	sadd.s32 $0xFFFFE003, lr  }
0x1b: {  	s9 =	sadd.s32 $0xFFFFFEF7, lr;
	s5 =	simm.s32 $0xFFFFFFFF;
	p2 =	slt.u32 s8, $0xFFFFF086  }
0x1c: {  	p1 =	slt.u32 s9, $0xF7A;
	s5 =	simm.s32 @!p2 $0x0  }
0x1d: {  	s5 =	simm.s32 @p1 $0x1;
	p0 =	seq.s32 s7, s2  }
0x1e: {  	s7 =	smul.u32 @!p0 $0xF7A, s2;
	p2 =	seq.s32 @!p0 s5, $0x0  }
0x1f: {  	s9 =	smul.u32 $0xF7A, s1;
	s8 =	simm.s32 @!p0 $0x1BF5;
	p2 =	por !p2, p0  }
0x20: {  	[sflag:s8] =	ssyncset.s32 @!p0 $0xFFFFF086;
	s6 =	sadd.s32 @!p0 s3, s7;
	s7 =	simm.s32 @!p0 $0x108  }
0x21: {  	s3 =	sadd.s32 s3, s9;
	s6 =	sadd.s32 @!p0 $0x88, s6;
	s7 =	simm.s32 @p2 $0x1082  }
0x22: {  	[simem:s7], [sflag:s8] =	dma.local @!p0 [hbm:s6], $0xF7A  }
0x23: {  	s9 =	sor.u32 $0xD0000000, s2;
	s6 =	simm.s32 $0x108;
	_ =	swait.ge @!p0 [sflag:s8], $0x0  }
0x24: {  	s3 =	sadd.s32 $0x88, s3;
	s6 =	simm.s32 @!p1 $0x1082;
	[sflag:s4] =	ssyncset.s32 $0xFFFFF086  }
0x25: {  	[simem:s6], [sflag:s4] =	dma.local [hbm:s3], $0xF7A  }
0x26: {  	[smem:$0x3F9B] =	sst s1;
	(tag) =	ssettag s2;
	_ =	strace s9  }
0x27: {  	s1 =	sld [smem:$0x3FAB]  }
0x28: {  	s2 =	sld [smem:$0x3FAC]  }
0x29: {  	s4 =	sld [smem:$0x3FAE]  }
0x2a: {  	p0 =	seq.s32 s5, $0x0;
	s5 =	sld [smem:$0x3FAF]  }
0x2b: {  	s6 =	sld [smem:$0x3FB0]  }
0x2c: {  	s7 =	sld [smem:$0x3FB1]  }
0x2d: {  	s3 =	simm.s32 $0x108;
	s8 =	sld [smem:$0x3FB2]  }
0x2e: {  	s3 =	simm.s32 @!p0 $0x1082;
	s9 =	sld [smem:$0x3FB3]  }
0x2f: {  	lr =	sadd.s32 s0, s3;
	s0 =	sld [smem:$0x3FAA]  }
0x30: {  	s3 =	sld [smem:$0x3FAD]  }
0x31: {  	[smem:$0x3FB6] =	sst s10  }
0x32: {  	s10 =	sld [smem:$0x3FB4];
	_ =	sdelay $0x3  }
0x33: {  	p0 =	seq.s32 s10, $0x1;
	s10 =	sld [smem:$0x3FB6];
	_ =	sdelay $0x3  }
0x34: {  	[smem:$0x3FB6] =	sst s10  }
0x35: {  	s10 =	sld [smem:$0x3FB5];
	_ =	sdelay $0x3  }
0x36: {  	p1 =	seq.s32 s10, $0x1;
	s10 =	sld [smem:$0x3FB6];
	_ =	sdelay $0x3  }
0x37: {  	[smem:$0x3FB6] =	sst s10  }
0x38: {  	s10 =	sld [smem:$0x3FB7]  }
0x39: {  	_ = 	snop;
	(pc) =	sbr.ind lr, $3  }
0x3a: {  	_ = 	snop  }
0x3b: {  	_ = 	snop  }
0x3c: {  	p2 =	seq.s32 s10, $0x1;
	s10 =	sld [smem:$0x3FB6]  }
0x3d: {  	_ =	shalt  }
0x3e: {  	_ =	shalt  }
0x3f: {  	_ =	shalt  }
0x40: {  	_ =	shalt  }
0x41: {  	_ =	shalt  }
0x42: {  	_ =	shalt  }
0x43: {  	_ =	shalt  }
0x44: {  	_ =	shalt  }
0x45: {  	_ =	shalt  }
0x46: {  	_ =	shalt  }
0x47: {  	_ =	shalt  }
0x48: {  	_ =	shalt  }
0x49: {  	_ =	shalt  }
0x4a: {  	_ =	shalt  }
0x4b: {  	_ =	shalt  }
0x4c: {  	_ =	shalt  }
0x4d: {  	_ =	shalt  }
0x4e: {  	_ =	shalt  }
0x4f: {  	_ =	shalt  }
0x50: {  	_ =	shalt  }
0x51: {  	_ =	shalt  }
0x52: {  	_ =	shalt  }
0x53: {  	_ =	shalt  }
0x54: {  	_ =	shalt  }
0x55: {  	_ =	shalt  }
0x56: {  	_ =	shalt  }
0x57: {  	_ =	shalt  }
0x58: {  	_ =	shalt  }
0x59: {  	_ =	shalt  }
0x5a: {  	_ =	shalt  }
0x5b: {  	_ =	shalt  }
0x5c: {  	_ =	shalt  }
0x5d: {  	_ =	shalt  }
0x5e: {  	_ =	shalt  }
0x5f: {  	_ =	shalt  }
0x60: {  	_ =	shalt  }
0x61: {  	_ =	shalt  }
0x62: {  	_ =	shalt  }
0x63: {  	_ =	shalt  }
0x64: {  	_ =	shalt  }
0x65: {  	_ =	shalt  }
0x66: {  	_ =	shalt  }
0x67: {  	_ =	shalt  }
0x68: {  	_ =	shalt  }
0x69: {  	_ =	shalt  }
0x6a: {  	_ =	shalt  }
0x6b: {  	_ =	shalt  }
0x6c: {  	_ =	shalt  }
0x6d: {  	_ =	shalt  }
0x6e: {  	_ =	shalt  }
0x6f: {  	_ =	shalt  }
0x70: {  	_ =	shalt  }
0x71: {  	_ =	shalt  }
0x72: {  	_ =	shalt  }
0x73: {  	_ =	shalt  }
0x74: {  	_ =	shalt  }
0x75: {  	_ =	shalt  }
0x76: {  	_ =	shalt  }
0x77: {  	_ =	shalt  }
0x78: {  	_ =	shalt  }
0x79: {  	_ =	shalt  }
0x7a: {  	_ =	shalt  }
0x7b: {  	_ =	shalt  }
0x7c: {  	_ =	shalt  }
0x7d: {  	_ =	shalt  }
0x7e: {  	_ =	shalt  }
0x7f: {  	_ =	shalt  }
0x80: {  	_ =	shalt  }
0x81: {  	_ =	shalt  }
0x82: {  	_ =	shalt  }
0x83: {  	_ =	shalt  }
0x84: {  	_ =	shalt  }
0x85: {  	_ =	shalt  }
0x86: {  	_ =	shalt  }
0x87: {  	_ =	shalt  }
.Lfunc_end0:
.L_simem_size_0:
called_computation_lowered:
.L_overlay_start_0:
0x88: {  	s2 =	sld [smem:$0x3FD9]  }
0x89: {  	s3 =	sld [smem:$0x3FFE];
	_ =	sdelay $0x1  }
0x8a: {  	s1 =	srdreg.scid  }
0x8b: {  	s0 =	sand.u32 $0x1, s1  }
0x8c: {  	s17 =	sshll.u32 s0, $0xA;
	s2 =	sadd.s32 s3, s2  }
0x8d: {  	s2 =	sadd.s32 s2, s17  }
0x8e: {  	[smem:$0x3FC2] =	sst s2  }
0x8f: {  	_ = 	snop  }
0x90: {  	s2 =	sld [smem:$0x3FC8]  }
0x91: {  	s18 =	sld [smem:$0x3FD0];
	(tm) =	ssettm $0x1  }
0x92: {  	s4 =	sld [smem:$0x3FFB];
	_ =	sdelay $0x3  }
0x93: {  	_ =	strace s4  }
0x94: {  	s4 =	sld [smem:$0x3FFC];
	_ =	sdelay $0x3  }
0x95: {  	_ =	strace s4  }
0x96: {  	s4 =	sld [smem:$0x3FFD];
	_ =	sdelay $0x3  }
0x97: {  	_ =	strace s4  }
0x98: {  	_ =	strace $0x8FFFFFFF  }
0x99: {  	s19 =	sld [smem:$0x3FDB];
	_ =	sdelay $0x1  }
0x9a: {  	s5 =	simm.s32 $_scs_section_size  }
0x9b: {  	s6 =	simm.s32 $_size__tile_overlayer_lowered;
	s7 =	simm.s32 $_tile_overlayer_lowered  }
0x9c: {  	s22 =	simm.s32 $0x1BFF;
	s21 =	sshll.u32 s7, $0x1;
	s4 =	sadd.s32 s5, s19  }
0x9d: {  	s8 =	simm.s32 $0x0;
	s20 =	sshll.u32 s6, $0x1;
	s6 =	sadd.s32 s21, s4  }
0x9e: {  	[timem:s8], [sflag:s22] =	dma.local [hbm:s6], s20  }
0x9f: {  	_ =	swait.ge [sflag:s22], s20  }
0xa0: {  	s5 =	ssub.s32 $0x0, s20;
	[sflag:s22] =	ssyncset.done $0x0  }
0xa1: {  	[sflag:s22] =	ssyncadd.s32 s5;
	_ =	sdelay $0x1  }
0xa2: {  	s23 =	simm.s32 $0x1B8B  }
0xa3: {  	_ =	swait.ge [sflag:s23], $0x1  }
0xa4: {  	[sflag:s23] =	ssyncset.done $0x0  }
0xa5: {  	s25 =	simm.s32 $0x1B8E;
	s24 =	sld [smem:$0x3FFE];
	[sflag:s23] =	ssyncadd.s32 $0xFFFFFFFF  }
0xa6: {  	s26 =	simm.s32 $execute0_lowered;
	[smem:$0x3FD2] =	sst s25  }
0xa7: {  	s6 =	sshll.u32 s26, $0x1;
	_ =	strace $0x80000046;
	[dreg:$0x1] =	wrdreg $0xFFFFFFFF  }
0xa8: {  	s28 =	simm.s32 $_size_execute0_lowered;
	s4 =	sadd.s32 s4, s6;
	[dreg:$0x0] =	wrdreg $0x0  }
0xa9: {  	s6 =	sshll.u32 s28, $0x1;
	[dreg:$0x2] =	wrdreg s4  }
0xaa: {  	[dreg:$0x3] =	wrdreg s6  }
0xab: {  	[dreg:$0x4] =	wrdreg $0xC0  }
0xac: {  	_ =	task [dreg:s8], $0x5FFFF  }
0xad: {  	[dreg:$0x1] =	wrdreg $0xFFFFFFFF  }
0xae: {  	[dreg:$0x0] =	wrdreg $0x60  }
0xaf: {  	[dreg:$0x2] =	wrdreg s2  }
0xb0: {  	[dreg:$0x3] =	wrdreg s24  }
0xb1: {  	[dreg:$0x4] =	wrdreg s18  }
0xb2: {  	[dreg:$0x5] =	wrdreg $0x9  }
0xb3: {  	_ =	task.clear_ibuf [dreg:s8], $0x6FFFF;
	_ =	strace $0x90000046  }
0xb4: {  	s29 =	simm.s32 $0x9;
	_ =	strace $0x80000048  }
0xb5: {  	_ =	swait.ge [sflag:s29], $0x1  }
0xb6: {  	[sflag:s29] =	ssyncadd.s32 $0xFFFFFFFF  }
0xb7: {  	_ =	strace $0x90000048  }
0xb8: {  	_ =	sfence  }
0xb9: {  	s30 =	sld [smem:$0x0];
	_ =	sdelay $0x2  }
0xba: {  	s31 =	sshll.u32 s1, $0xD;
	s1 =	sshrl.u32 s1, $0x2  }
0xbb: {  	s3 =	sand.u32 $0x4000, s31;
	s1 =	sadd.s32 s1, s30  }
0xbc: {  	s0 =	sor.u32 s3, s0;
	s1 =	sshll.u32 s1, $0x11  }
0xbd: {  	s0 =	sor.u32 s1, s0  }
0xbe: {  	s0 =	sadd.s32 $0x8F2B, s0  }
0xbf: {  	[sflag:s0] =	ssyncadd.remote.s32 $0x1  }
0xc0: {  	_ =	sfence.sel $0xFFFF  }
0xc1: {  	[dreg:$0x0] =	wrdreg $0xFFFFFFFF;
	(pc) =	sbr.abs _section_cstart, $3  }
0xc2: {  	[dreg:$0x1] =	wrdreg $0xFFFFFFFF  }
0xc3: {  	_ =	task.clear_ibuf [dreg:s8], $0x2FFFF;
	_ =	strace $0x9FFFFFFF  }
0xc4: {  	(tm) =	ssettm $0x7FFFFFFF  }
0xc5: {  	_ =	shalt  }
tec
execute0_lowered:
.L_overlay_start_1:
0x0: {  	(tag) =	ssettag $0x1  }
0x1: {  	s1 =	rddreg [dreg:$0x0]  }
0x2: {  	s2 =	srdreg.scid;
	s0 =	stileid.u32  }
0x3: {  	s4 =	rddreg [dreg:$0x1];
	s10 =	sand.u32 $0x1, s2;
	s29 =	sshll.u32 s0, $0x1  }
0x4: {  	s11 =	rddreg [dreg:$0x2];
	s12 =	sor.u32 s10, s29  }
0x5: {  	s3 =	simm.s32 $0x0;
	s2 =	rddreg [dreg:$0x3];
	s5 =	sshll.u32 s12, $0x5  }
0x6: {  	[smem:$0x7FF] =	sst s3;
	s4 =	sadd.s32 s5, s4  }
0x7: {  	_ =	strace $0x80000047;
	s5 =	sadd.s32 $0xA00, s4;
	s4 =	simm.s32 $0x2  }
0x8: {  	[tilespmem:s3], [sflag:$0x2] =	stream.linear.gather [hbm4b:s5+s3], $0x100, $0x38;
	[tilespmem:$0x8100] =	vst v63  }
0x9: {  	_ =	swait.ge [sflag:s4], $0x100  }
0xa: {  	[sflag:s4] =	ssyncset.done $0x0  }
0xb: {  	s6 =	simm.s32 $0x80;
	s7 =	simm.s32 $0x100;
	[sflag:s4] =	ssyncadd.s32 $0xFFFFFF00  }
0xc: {  	[tilespmem:s7], [sflag:$0x1] =	stream.indirect.gather [hbm4b:s1+s6], $0x80, s3, s6, $0xb8;
	[tilespmem:$0x8100] =	vst v63  }
0xd: {  	s8 =	simm.s32 $0x4100;
	s9 =	simm.s32 $0x1;
	s10 =	ssub.s32 $0x2, s10  }
0xe: {  	[tilespmem:s8], [sflag:$0x1] =	stream.indirect.gather [hbm4b:s1+s6], $0x80, s6, s6, $0xb8;
	[tilespmem:$0x8100] =	vst v63  }
0xf: {  	s13 =	sshrl.u32 s10, $0x1;
	_ =	swait.ge [sflag:s9], $0x4000  }
0x10: {  	s13 =	ssub.s32 s10, s13;
	[sflag:s9] =	ssyncset.done $0x0  }
0x11: {  	s31 =	smax.u32 s13, $0x1;
	[sflag:s9] =	ssyncadd.s32 $0xFFFFC000  }
0x12: {  	p0 =	sne.s32 s31, $0x1;
	_ =	swait.ge [sflag:s9], $0x4000  }
.Ltmp0:
0x13: {  	s30 =	sshll.u32 s12, $0xC;
	[sflag:s9] =	ssyncset.done $0x0;
	(pc) =	sbr.rel @!p0 .LBB2_2-.Ltmp0, $4  }
0x14: {  	s10 =	sadd.s32 s11, s30;
	[sflag:s9] =	ssyncadd.s32 $0xFFFFC000  }
0x15: {  	[hbm4b:s10+s3] =	stream.linear.scatter [tilespmem:s7], [sflag:$0x2], $0x8000, $0x38;
	[tilespmem:$0x8100] =	vst v63  }
0x16: {  	_ =	swait.ge [sflag:s4], $0x8000  }
0x17: {  	s11 =	sadd.s32 $0xFFFFFFFF, s31;
	[sflag:s4] =	ssyncset.done $0x0  }
.LBB2_1:
0x18: {  	p0 =	sne.s32 s11, $0x1;
	s11 =	sadd.s32 $0xFFFFFFFF, s11;
	[sflag:s4] =	ssyncadd.s32 $0xFFFF8000  }
0x19: {  	[tilespmem:s3], [sflag:$0x2] =	stream.linear.gather [hbm4b:s5+s3], $0x100, $0x38;
	[tilespmem:$0x8100] =	vst v63  }
0x1a: {  	_ =	swait.ge [sflag:s4], $0x100  }
0x1b: {  	[sflag:s4] =	ssyncset.done $0x0  }
0x1c: {  	[sflag:s4] =	ssyncadd.s32 $0xFFFFFF00  }
0x1d: {  	[tilespmem:s7], [sflag:$0x1] =	stream.indirect.gather [hbm4b:s1+s6], $0x80, s3, s6, $0xb8;
	[tilespmem:$0x8100] =	vst v63  }
0x1e: {  	_ = 	snop  }
0x1f: {  	[tilespmem:s8], [sflag:$0x1] =	stream.indirect.gather [hbm4b:s1+s6], $0x80, s6, s6, $0xb8;
	[tilespmem:$0x8100] =	vst v63  }
0x20: {  	_ =	swait.ge [sflag:s9], $0x4000  }
0x21: {  	[sflag:s9] =	ssyncset.done $0x0  }
0x22: {  	[sflag:s9] =	ssyncadd.s32 $0xFFFFC000  }
0x23: {  	_ =	swait.ge [sflag:s9], $0x4000  }
.Ltmp1:
0x24: {  	[sflag:s9] =	ssyncset.done $0x0;
	(pc) =	sbr.rel @p0 .LBB2_1-.Ltmp1, $4  }
0x25: {  	[sflag:s9] =	ssyncadd.s32 $0xFFFFC000  }
0x26: {  	[hbm4b:s10+s3] =	stream.linear.scatter [tilespmem:s7], [sflag:$0x2], $0x8000, $0x38;
	[tilespmem:$0x8100] =	vst v63  }
0x27: {  	_ =	swait.ge [sflag:s4], $0x8000  }
0x28: {  	[sflag:s4] =	ssyncset.done $0x0  }
.LBB2_2:
0x29: {  	[sflag:s4] =	ssyncadd.s32 $0xFFFF8000  }
0x2a: {  	_ =	sfence.sel $0x180000  }
0x2b: {  	[bflag:$0x0] =	sbarrier.arrive $0xFFFF  }
0x2c: {  	p0 =	sne.s32 s0, $0x0;
	_ =	strace $0x90000047  }
0x2d: {  	s0 =	sadd.s32 @!p0 $0x100000, s2;
	[bflag:$0x2] =	sbarrier.arrive $0xFFFF  }
0x2e: {  	[sflag:s0] =	ssyncadd.tile.s32 @!p0 $0x1;
	_ =	shalt  }
.Lfunc_end2:
_tile_overlayer_lowered:
.L_overlay_start_2:
0x2f: {  	(tag) =	ssettag $0x2  }
0x30: {  	s0 =	rddreg [dreg:$0x0];
	s2 =	stileid.u32  }
0x31: {  	s1 =	rddreg [dreg:$0x1];
	p0 =	sne.s32 s2, $0x0  }
0x32: {  	s3 =	rddreg [dreg:$0x2];
	[bflag:$0x3] =	sbarrier.arrive $0xFFFF;
	s2 =	simm.s32 @!p0 $0x1C02  }
0x33: {  	[timem:s3], [sflag:s2] =	dma.local @!p0 [hbm:s0], s1  }
0x34: {  	s0 =	simm.s32 @!p0 $0x2  }
0x35: {  	_ =	swait.ge @!p0 [sflag:s0], s1  }
0x36: {  	s1 =	ssub.s32 @!p0 $0x0, s1;
	[sflag:s0] =	ssyncset.done @!p0 $0x0  }
0x37: {  	[sflag:s0] =	ssyncadd.s32 @!p0 s1  }
0x38: {  	[bflag:$0x3] =	sbarrier.arrive $0xFFFF  }
0x39: {  	_ =	shalt  }

</sc_bundles>
